<compile_context>
chip_gen: v7x
topology: tpu7x:2x2x1
jax: 0.10.2.dev20260603
libtpu: 0.0.44.dev20260713+nightly
codegen_flags: <defaults>
</compile_context>

<pallas_src>
import numpy as np
import jax
import jax.numpy as jnp
from jax.experimental import pallas as pl

_P = 1.0
_FREQ_MASK_PARAM = 27
_TIME_MASK_PARAM = 100
_FREQ_MASKS = 2
_TIME_MASKS = 2


def _mask_vectors(batch, n_freq, n_time):
    rng = np.random.default_rng(0)
    if rng.random() > _P:
        return None
    rowm = np.zeros((batch, n_freq), np.float32)
    colm = np.zeros((batch, n_time), np.float32)
    for idx in range(batch):
        for _ in range(_FREQ_MASKS):
            max_w = min(_FREQ_MASK_PARAM, n_freq)
            w = int(rng.integers(0, max_w + 1))
            if w > 0:
                s = int(rng.integers(0, n_freq - w + 1))
                rowm[idx, s:s + w] = 1.0
        for _ in range(_TIME_MASKS):
            max_w = min(_TIME_MASK_PARAM, n_time)
            w = int(rng.integers(0, max_w + 1))
            if w > 0:
                s = int(rng.integers(0, n_time - w + 1))
                colm[idx, s:s + w] = 1.0
    return rowm, colm


def _body(x_ref, rowm_ref, colm_ref, o_ref):
    xb = x_ref[0]
    fill = jnp.mean(xb)
    rm = rowm_ref[0, 0, :]
    cm = colm_ref[0, 0, :]
    m = jnp.maximum(rm[:, None], cm[None, :]) > 0.0
    o_ref[0] = jnp.where(m, fill, xb)


def kernel(x):
    batch, ch, n_freq, n_time = x.shape
    masks = _mask_vectors(batch, n_freq, n_time)
    if masks is None:
        return x
    rowm_np, colm_np = masks
    rowm = jnp.asarray(rowm_np).reshape(batch, 1, n_freq)
    colm = jnp.asarray(colm_np).reshape(batch, 1, n_time)
    x3 = x.reshape(batch * ch, n_freq, n_time)

    out = pl.pallas_call(
        _body,
        grid=(batch,),
        in_specs=[
            pl.BlockSpec((1, n_freq, n_time), lambda b: (b, 0, 0)),
            pl.BlockSpec((1, 1, n_freq), lambda b: (b, 0, 0)),
            pl.BlockSpec((1, 1, n_time), lambda b: (b, 0, 0)),
        ],
        out_specs=pl.BlockSpec((1, n_freq, n_time), lambda b: (b, 0, 0)),
        out_shape=jax.ShapeDtypeStruct((batch * ch, n_freq, n_time), x.dtype),
    )(x3, rowm, colm)
    return out.reshape(batch, ch, n_freq, n_time)

# --- scband reference (transcript-rebuilt; emitter-appended) ---
"""Pipeline reference for scband-spec-augment-2869038154066 (READ-ONLY COPY).

The authoritative reference and input builder live on the scoring server;
editing this copy changes nothing except your own understanding.
"""

import jax, jax.numpy as jnp
import numpy as np

P = 1.0
FREQ_MASK_PARAM = 27
TIME_MASK_PARAM = 100
FREQ_MASKS = 2
TIME_MASKS = 2


def setup_inputs(seed: int = 0) -> dict:
    key = jax.random.key(seed)
    x = jax.random.normal(key, (64, 1, 128, 3000), dtype=jnp.float32)
    return {"x": x}


def _make_mask(batch, n_freq, n_time):
    # Deterministic stand-in for the torch.randint draws in the original module.
    rng = np.random.default_rng(0)
    # p-gate: with p=1.0 the branch is always taken (rng.random() > 1.0 is False)
    if rng.random() > P:
        return None
    mask = np.zeros((batch, 1, n_freq, n_time), dtype=bool)
    for idx in range(batch):
        for _ in range(FREQ_MASKS):
            max_width = min(FREQ_MASK_PARAM, n_freq)
            width = int(rng.integers(0, max_width + 1))
            if width > 0:
                start = int(rng.integers(0, n_freq - width + 1))
                mask[idx, :, start:start + width, :] = True
        for _ in range(TIME_MASKS):
            max_width = min(TIME_MASK_PARAM, n_time)
            width = int(rng.integers(0, max_width + 1))
            if width > 0:
                start = int(rng.integers(0, n_time - width + 1))
                mask[idx, :, :, start:start + width] = True
    return mask


def reference(x):
    batch, _, n_freq, n_time = x.shape
    mask_np = _make_mask(batch, n_freq, n_time)
    if mask_np is None:
        return x
    mask = jnp.asarray(mask_np)
    # fill value: per-sample, per-channel mean over (freq, time), as in the torch module
    fill = jnp.mean(x, axis=(2, 3), keepdims=True)
    out = jnp.where(mask, fill, x)
    return out

if __name__ == "__main__":
    import jax
    _d = setup_inputs()
    print(jax.jit(kernel)(*tuple(_d.values())))

</pallas_src>

<mosaic_0001>
module attributes {stable_mosaic.version = 14 : i64} {
  func.func @_body(%arg0: i32, %arg1: memref<1x128x3000xf32, #tpu.memory_space<vmem>>, %arg2: memref<1x1x128xf32, #tpu.memory_space<vmem>>, %arg3: memref<1x1x3000xf32, #tpu.memory_space<vmem>>, %arg4: memref<1x128x3000xf32, #tpu.memory_space<vmem>>) attributes {dimension_semantics = [#tpu.dimension_semantics<arbitrary>], iteration_bounds = array<i64: 64>, scalar_prefetch = 0 : i64, scratch_operands = 0 : i64, tpu.core_type = #tpu.core_type<tc>, window_params = [{transform_indices = @transform_0, window_bounds = array<i64: 1, 128, 3000>}, {transform_indices = @transform_1, window_bounds = array<i64: 1, 1, 128>}, {transform_indices = @transform_2, window_bounds = array<i64: 1, 1, 3000>}, {transform_indices = @transform_3, window_bounds = array<i64: 1, 128, 3000>}]} {
    %get3A = arith.constant 0 : index
    %get3A_0 = arith.constant 0 : index
    %get3A_1 = arith.constant 0 : index
    %get3A_2 = vector.load %arg1[%get3A, %get3A_0, %get3A_1] : memref<1x128x3000xf32, #tpu.memory_space<vmem>>, vector<1x128x3000xf32>
    %get3A_3 = vector.shape_cast %get3A_2 : vector<1x128x3000xf32> to vector<128x3000xf32>
    %reduce_sum3A = vector.shape_cast %get3A_3 : vector<128x3000xf32> to vector<1x128x3000xf32>
    %reduce_sum3A_4 = arith.constant dense<0.000000e+00> : vector<1xf32>
    %reduce_sum3A_5 = vector.multi_reduction <add>, %reduce_sum3A, %reduce_sum3A_4 [1, 2] : vector<1x128x3000xf32> to vector<1xf32>
    %reduce_sum3A_6 = vector.shape_cast %reduce_sum3A_5 : vector<1xf32> to vector<1x1x1xf32>
    %reduce_sum3A_7 = vector.extract %reduce_sum3A_6[0, 0, 0] : f32 from vector<1x1x1xf32>
    %div3A = arith.constant 3.840000e+05 : f32
    %div3A_8 = arith.divf %reduce_sum3A_7, %div3A : f32
    %get3A_9 = arith.constant 0 : index
    %get3A_10 = arith.constant 0 : index
    %get3A_11 = arith.constant 0 : index
    %get3A_12 = vector.load %arg2[%get3A_9, %get3A_10, %get3A_11] : memref<1x1x128xf32, #tpu.memory_space<vmem>>, vector<1x1x128xf32>
    %get3A_13 = vector.shape_cast %get3A_12 : vector<1x1x128xf32> to vector<128xf32>
    %get3A_14 = arith.constant 0 : index
    %get3A_15 = arith.constant 0 : index
    %get3A_16 = arith.constant 0 : index
    %get3A_17 = vector.load %arg3[%get3A_14, %get3A_15, %get3A_16] : memref<1x1x3000xf32, #tpu.memory_space<vmem>>, vector<1x1x3000xf32>
    %get3A_18 = vector.shape_cast %get3A_17 : vector<1x1x3000xf32> to vector<3000xf32>
    %broadcast_in_dim3A = vector.shape_cast %get3A_13 : vector<128xf32> to vector<128x1xf32>
    %broadcast_in_dim3A_19 = vector.shape_cast %get3A_18 : vector<3000xf32> to vector<1x3000xf32>
    %max3A = vector.broadcast %broadcast_in_dim3A : vector<128x1xf32> to vector<128x3000xf32>
    %max3A_20 = vector.broadcast %broadcast_in_dim3A_19 : vector<1x3000xf32> to vector<128x3000xf32>
    %max3A_21 = arith.maximumf %max3A, %max3A_20 : vector<128x3000xf32>
    %gt3A = arith.constant 0.000000e+00 : f32
    %gt3A_22 = vector.broadcast %gt3A : f32 to vector<128x3000xf32>
    %gt3A_23 = arith.cmpf ogt, %max3A_21, %gt3A_22 : vector<128x3000xf32>
    %broadcast_in_dim3A_24 = vector.broadcast %div3A_8 : f32 to vector<128x3000xf32>
    %select_n3A = arith.select %gt3A_23, %broadcast_in_dim3A_24, %get3A_3 : vector<128x3000xi1>, vector<128x3000xf32>
    %swap3A = arith.constant 0 : index
    %swap3A_25 = arith.constant 0 : index
    %swap3A_26 = arith.constant 0 : index
    %swap3A_27 = vector.load %arg4[%swap3A, %swap3A_25, %swap3A_26] : memref<1x128x3000xf32, #tpu.memory_space<vmem>>, vector<1x128x3000xf32>
    %swap3A_28 = vector.shape_cast %swap3A_27 : vector<1x128x3000xf32> to vector<128x3000xf32>
    %swap3A_29 = vector.shape_cast %select_n3A : vector<128x3000xf32> to vector<1x128x3000xf32>
    tpu.vector_store %arg4[%swap3A, %swap3A_25, %swap3A_26], %swap3A_29 {strides = array<i32>} : memref<1x128x3000xf32, #tpu.memory_space<vmem>>, vector<1x128x3000xf32>,
    return
  }
  func.func @transform_0(%arg0: i32) -> (i32, i32, i32) {
    %c0_i32 = arith.constant 0 : i32
    %c0_i32_0 = arith.constant 0 : i32
    %c0_i32_1 = arith.constant 0 : i32
    return %arg0, %c0_i32, %c0_i32_0 : i32, i32, i32
  }
  func.func @transform_1(%arg0: i32) -> (i32, i32, i32) {
    %c0_i32 = arith.constant 0 : i32
    %c0_i32_0 = arith.constant 0 : i32
    %c0_i32_1 = arith.constant 0 : i32
    return %arg0, %c0_i32, %c0_i32_0 : i32, i32, i32
  }
  func.func @transform_2(%arg0: i32) -> (i32, i32, i32) {
    %c0_i32 = arith.constant 0 : i32
    %c0_i32_0 = arith.constant 0 : i32
    %c0_i32_1 = arith.constant 0 : i32
    return %arg0, %c0_i32, %c0_i32_0 : i32, i32, i32
  }
  func.func @transform_3(%arg0: i32) -> (i32, i32, i32) {
    %c0_i32 = arith.constant 0 : i32
    %c0_i32_0 = arith.constant 0 : i32
    %c0_i32_1 = arith.constant 0 : i32
    return %arg0, %c0_i32, %c0_i32_0 : i32, i32, i32
  }
}

</mosaic_0001>

<sc_bundles>
// kernel: sparse-core-data-format-call.cloned.1.call-start
scs
called_computation_lowered:
.L_overlay_start_0:
0x0: {  	s2 =	sld [smem:$0x3FD9]  }
0x1: {  	s3 =	sld [smem:$0x3FFE];
	_ =	sdelay $0x1  }
0x2: {  	s1 =	srdreg.scid  }
0x3: {  	s0 =	sand.u32 $0x1, s1  }
0x4: {  	s18 =	sshll.u32 s0, $0xA;
	s2 =	sadd.s32 s3, s2  }
0x5: {  	s2 =	sadd.s32 s2, s18  }
0x6: {  	[smem:$0x3FC7] =	sst s2  }
0x7: {  	_ = 	snop  }
0x8: {  	s2 =	sld [smem:$0x3FD0];
	(tm) =	ssettm $0x1  }
0x9: {  	s19 =	sld [smem:$0x3FFB];
	_ =	sdelay $0x3  }
0xa: {  	_ =	strace s19  }
0xb: {  	s3 =	sld [smem:$0x3FFC];
	_ =	sdelay $0x3  }
0xc: {  	_ =	strace s3  }
0xd: {  	s3 =	sld [smem:$0x3FFD];
	_ =	sdelay $0x3  }
0xe: {  	_ =	strace s3  }
0xf: {  	_ =	strace $0x8FFFFFFF  }
0x10: {  	s20 =	sld [smem:$0x3FDB];
	_ =	sdelay $0x1  }
0x11: {  	s4 =	simm.s32 $_scs_section_size  }
0x12: {  	s5 =	simm.s32 $_size__tile_overlayer_lowered;
	s6 =	simm.s32 $_tile_overlayer_lowered  }
0x13: {  	s23 =	simm.s32 $0x1BFF;
	s22 =	sshll.u32 s6, $0x1;
	s3 =	sadd.s32 s4, s20  }
0x14: {  	s7 =	simm.s32 $0x0;
	s21 =	sshll.u32 s5, $0x1;
	s5 =	sadd.s32 s22, s3  }
0x15: {  	[timem:s7], [sflag:s23] =	dma.local [hbm:s5], s21  }
0x16: {  	_ =	swait.ge [sflag:s23], s21  }
0x17: {  	s4 =	ssub.s32 $0x0, s21;
	[sflag:s23] =	ssyncset.done $0x0  }
0x18: {  	[sflag:s23] =	ssyncadd.s32 s4;
	_ =	sdelay $0x1  }
0x19: {  	s24 =	simm.s32 $0x1B8B  }
0x1a: {  	_ =	swait.ge [sflag:s24], $0x1  }
0x1b: {  	[sflag:s24] =	ssyncset.done $0x0  }
0x1c: {  	s26 =	simm.s32 $0x1B8E;
	s25 =	sld [smem:$0x3FFE];
	[sflag:s24] =	ssyncadd.s32 $0xFFFFFFFF  }
0x1d: {  	s27 =	simm.s32 $execute0_lowered;
	[smem:$0x3FD2] =	sst s26  }
0x1e: {  	s5 =	sshll.u32 s27, $0x1;
	_ =	strace $0x80000046;
	[dreg:$0x1] =	wrdreg $0xFFFFFFFF  }
0x1f: {  	s28 =	simm.s32 $_size_execute0_lowered;
	s3 =	sadd.s32 s3, s5;
	[dreg:$0x0] =	wrdreg $0x0  }
0x20: {  	s5 =	sshll.u32 s28, $0x1;
	[dreg:$0x2] =	wrdreg s3  }
0x21: {  	[dreg:$0x3] =	wrdreg s5  }
0x22: {  	[dreg:$0x4] =	wrdreg $0xC0  }
0x23: {  	_ =	task [dreg:s7], $0x5FFFF  }
0x24: {  	[dreg:$0x1] =	wrdreg $0xFFFFFFFF  }
0x25: {  	[dreg:$0x0] =	wrdreg $0x60  }
0x26: {  	[dreg:$0x2] =	wrdreg s25  }
0x27: {  	[dreg:$0x3] =	wrdreg s2  }
0x28: {  	[dreg:$0x4] =	wrdreg $0x9  }
0x29: {  	_ =	task.clear_ibuf [dreg:s7], $0x5FFFF;
	_ =	strace $0x90000046  }
0x2a: {  	s29 =	simm.s32 $0x9;
	_ =	strace $0x80000048  }
0x2b: {  	_ =	swait.ge [sflag:s29], $0x1  }
0x2c: {  	[sflag:s29] =	ssyncadd.s32 $0xFFFFFFFF  }
0x2d: {  	_ =	strace $0x90000048  }
0x2e: {  	_ =	sfence  }
0x2f: {  	s30 =	sld [smem:$0x0];
	_ =	sdelay $0x2  }
0x30: {  	s31 =	sshll.u32 s1, $0xD;
	s1 =	sshrl.u32 s1, $0x2  }
0x31: {  	s3 =	sand.u32 $0x4000, s31;
	s1 =	sadd.s32 s1, s30  }
0x32: {  	s0 =	sor.u32 s3, s0;
	s1 =	sshll.u32 s1, $0x11  }
0x33: {  	s0 =	sor.u32 s1, s0  }
0x34: {  	s0 =	sadd.s32 $0x8F2B, s0  }
0x35: {  	[sflag:s0] =	ssyncadd.remote.s32 $0x1  }
0x36: {  	_ =	sfence.sel $0xFFFF  }
0x37: {  	[dreg:$0x0] =	wrdreg $0xFFFFFFFF;
	(pc) =	sbr.abs _section_cstart, $3  }
0x38: {  	[dreg:$0x1] =	wrdreg $0xFFFFFFFF  }
0x39: {  	_ =	task.clear_ibuf [dreg:s7], $0x2FFFF;
	_ =	strace $0x9FFFFFFF  }
0x3a: {  	(tm) =	ssettm $0x7FFFFFFF  }
0x3b: {  	_ =	shalt  }
tec
execute0_lowered:
.L_overlay_start_1:
0x0: {  	(tag) =	ssettag $0x1  }
0x1: {  	s1 =	rddreg [dreg:$0x0]  }
0x2: {  	s2 =	rddreg [dreg:$0x1]  }
0x3: {  	s0 =	rddreg [dreg:$0x2];
	_ =	strace $0x80000047;
	s4 =	srdreg.scid  }
0x4: {  	s6 =	simm.s32 $0x2;
	s14 =	simm.s32 $0x0;
	p0 =	por $0x0, $0x0  }
0x5: {  	s13 =	simm.s32 $0x0;
	s15 =	simm.s32 $0x0;
	s8 =	simm.s32 $0x0  }
.Ltmp0:
0x6: {  	s9 =	simm.s32 $0x0;
	s10 =	simm.s32 $0x0;
	(pc) =	sbr.rel .LBB1_1-.Ltmp0, $4  }
0x7: {  	s11 =	simm.s32 $0x0;
	s3 =	sadd.s32 $0x300800, s1;
	s5 =	sshll.u32 s4, $0x4  }
0x8: {  	s1 =	stileid.u32;
	s4 =	simm.s32 $0x1;
	s5 =	sand.u32 $0x10, s5  }
0x9: {  	s7 =	simm.s32 $0x0;
	[sflag:s4] =	ssyncpa.u1 $0x0;
	s5 =	sor.u32 s1, s5  }
0xa: {  	[sflag:s6] =	ssyncpa.u1 $0x0;
	s6 =	simm.s32 $0x0;
	s12 =	smov.u32 s5  }
.LBB1_5:
0xb: {  	p1 =	slt.u32 s7, $0x2  }
0xc: {  	p2 =	sgt.s32 @!p1 s15, $0x3F  }
0xd: {  	s16 =	smov.u32 s15;
	s17 =	sshra.s32 @!p1 s15, $0x1F;
	p2 =	por !p2, p1  }
0xe: {  	s15 =	sand.u32 @!p1 s17, s15;
	s16 =	simm.s32 @p2 $0x3F  }
0xf: {  	p3 =	sgt.s32 @!p1 s14, $0xB38;
	s15 =	ssub.s32 @!p1 s16, s15  }
0x10: {  	p3 =	por !p3, p1;
	s17 =	smov.u32 s14;
	s16 =	sadd.s32 @!p1 $0xFFFFFFC1, s15  }
0x11: {  	s15 =	ssub.s32 @!p1 $0x40, s15;
	p2 =	sgt.s32 @!p1 s16, $0x0;
	s16 =	sshra.s32 @!p1 s14, $0x1F  }
0x12: {  	s14 =	sand.u32 @!p1 s16, s14;
	s16 =	ssub.s32 @!p1 $0x0, s13;
	p2 =	por !p2, p1  }
0x13: {  	s17 =	simm.s32 @p3 $0xB38;
	s13 =	smin.u32 @!p1 s13, s16;
	s15 =	simm.s32 @!p2 $0x0  }
0x14: {  	s14 =	ssub.s32 @!p1 s17, s14;
	s17 =	smov.u32 s11;
	p2 =	sgt.s32 @!p1 s13, $0x7F  }
0x15: {  	s16 =	sadd.s32 @!p1 $0xFFFFF4C8, s14;
	s13 =	ssub.s32 @!p1 $0x80, s13;
	p2 =	por !p2, p1  }
0x16: {  	s14 =	ssub.s32 @!p1 $0xBB8, s14;
	p3 =	sgt.s32 @!p1 s16, $0x7F;
	s13 =	simm.s32 @!p2 $0x0  }
0x17: {  	s16 =	sadd.s32 $0x80, s10;
	p2 =	por !p3, p1;
	s13 =	smul.u32 @!p1 s15, s13  }
0x18: {  	s14 =	simm.s32 @!p2 $0x0;
	p2 =	sgt.s32 s16, $0xBB7;
	s15 =	sadd.s32 $0x80, s11  }
0x19: {  	s18 =	smov.u32 s12;
	s17 =	smov.u32 @p2 s15  }
0x1a: {  	s13 =	smul.u32 @!p1 s14, s13;
	p3 =	sgt.s32 s17, $0x7F;
	s14 =	sadd.s32 $0x20, s12  }
0x1b: {  	s7 =	sadd.s32 $0x1, s7;
	p0 =	por !p0, !p0;
	s18 =	smov.u32 @p3 s14  }
0x1c: {  	s19 =	simm.s32 @!p1 $0x2;
	s16 =	simm.s32 @p2 $0x0;
	p2 =	sgt.s32 s18, $0x3F  }
0x1d: {  	s15 =	smov.u32 s9;
	s18 =	smov.u32 @p2 s5;
	p2 =	sne.s32 s7, $0x32  }
.Ltmp1:
0x1e: {  	s9 =	smov.u32 s12;
	s17 =	simm.s32 @p3 $0x0;
	(pc) =	sbr.rel @!p2 .LBB1_6-.Ltmp1, $4  }
0x1f: {  	s14 =	smov.u32 s6;
	s6 =	smov.u32 s10;
	s13 =	sand.u32 @!p1 $0x3FFFFFFF, s13  }
0x20: {  	s10 =	smov.u32 s16;
	_ =	swait.ge @!p1 [sflag:s19], s13;
	s20 =	ssub.s32 @!p1 $0x0, s13  }
0x21: {  	s13 =	smov.u32 s8;
	s8 =	smov.u32 s11;
	[sflag:s19] =	ssyncset.done @!p1 $0x0  }
0x22: {  	s11 =	smov.u32 s17;
	s12 =	smov.u32 s18;
	[sflag:s19] =	ssyncadd.s32 @!p1 s20  }
.LBB1_1:
0x23: {  	p1 =	sgt.u32 s7, $0x2F  }
0x24: {  	s16 =	sshrl.u32 @!p1 s11, $0x3  }
0x25: {  	s17 =	sshll.u32 @!p1 s10, $0x3;
	s18 =	sshll.u32 @!p1 s11, $0x7;
	s16 =	smul.u32 @!p1 $0x6000, s16  }
0x26: {  	s19 =	sand.u32 @!p1 $0x7F, s10;
	s17 =	sand.u32 @!p1 $0xFFFFFC00, s17;
	s18 =	sand.u32 @!p1 $0x380, s18  }
0x27: {  	s16 =	sadd.s32 @!p1 s16, s17;
	s17 =	sor.u32 @!p1 s19, s18  }
0x28: {  	s17 =	sor.u32 @!p1 s16, s17  }
0x29: {  	s18 =	smulhi.u32 @!p1 $0xAAAAAAAB, s17  }
0x2a: {  	s16 =	smulhi.u32 @!p1 $0xAAAAAAAB, s16  }
0x2b: {  	s18 =	sshrl.u32 @!p1 s18, $0xB  }
0x2c: {  	s16 =	sshrl.u32 @!p1 s16, $0xB;
	s18 =	smul.u32 @!p1 $0xC00, s18  }
0x2d: {  	s20 =	smul.u32 @!p1 $0xC000, s12;
	s19 =	sxor.u32 @!p1 $0xFFFFFFFF, s7;
	s16 =	sand.u32 @!p1 $0x7F, s16  }
0x2e: {  	s19 =	sshll.u32 @!p1 s19, $0xE;
	s16 =	smul.u32 @!p1 $0x180, s16;
	s17 =	ssub.s32 @!p1 s17, s18  }
0x2f: {  	s18 =	sand.u32 @!p1 $0x4000, s19;
	s19 =	sadd.s32 @!p1 s3, s20;
	s20 =	sand.u32 @!p1 $0x7, s17  }
0x30: {  	s17 =	sshrl.u32 @!p1 s17, $0x3;
	s16 =	sadd.s32 @!p1 s16, s19;
	s19 =	sshll.u32 @!p1 s20, $0x12  }
0x31: {  	s16 =	sadd.s32 @!p1 s17, s16;
	s17 =	sor.u32 @!p1 $0x400, s19;
	s19 =	simm.s32 @!p1 $0x6000  }
0x32: {  	[tilespmem:s18], [sflag:$0x1] =	stream.strided.gather @!p1 [hbm4b:s16+s17], $0x4000, s19, s17, $0x38;
	[tilespmem:$0x10100] =	vst v63  }
0x33: {  	p1 =	seq.s32 s7, $0x0  }
0x34: {  	p2 =	seq.s32 @!p1 s7, $0x31  }
0x35: {  	p1 =	por p1, p2  }
.Ltmp2:
0x36: {  	_ = 	snop;
	(pc) =	sbr.rel @p1 .LBB1_5-.Ltmp2, $1  }
0x37: {  	_ =	sdelay $0x3  }
0x38: {  	s16 =	simm.s32 $0x1  }
0x39: {  	_ =	swait.ge [sflag:s4], $0x4000;
	s16 =	simm.s32 @!p0 $0x0  }
0x3a: {  	[sflag:s4] =	ssyncset.done $0x0;
	s17 =	sshll.u32 s16, $0xE  }
0x3b: {  	[sflag:s4] =	ssyncadd.s32 $0xFFFFC000;
	s17 =	sor.u32 $0x40, s17  }
0x3c: {  	s16 =	smul.u32 $0x10200, s16;
	v0 =	vld [tilespmem:s17+$0x30]  }
0x3d: {  	v1 =	vld [tilespmem:s17+$0xFFFFFFD0]  }
0x3e: {  	s16 =	sshrl.u32 s16, $0x2;
	v5 =	vld [tilespmem:s17+$0xFFFFFFE0]  }
0x3f: {  	v6 =	vld [tilespmem:s17+$0xFFFFFFF0];
	s19 =	sor.u32 $0x8000, s16  }
0x40: {  	s31 =	sand.u32 $0x1, s7;
	v4 =	vld [tilespmem:s17+$0x0];
	s18 =	sadd.s32 $0x0, s19  }
0x41: {  	v3 =	vld [tilespmem:s17+$0x10];
	s16 =	smul.u32 $0x10200, s31;
	[tilespmem:s18+$0x3870 ss:$0x81] =	vst.msk $0xffff, v0  }
0x42: {  	v2 =	vld [tilespmem:s17+$0x20];
	[tilespmem:s18+$0x810 ss:$0x81] =	vst.msk $0xffff, v1  }
0x43: {  	s16 =	sshrl.u32 s16, $0x2;
	v0 =	vld [tilespmem:s17+$0xFFFFFFC0];
	[tilespmem:s18+$0x1020 ss:$0x81] =	vst.msk $0xffff, v5;
	s17 =	sadd.s32 $0x80, s17  }
0x44: {  	s20 =	simm.s32 $0x4;
	s21 =	simm.s32 $0x8;
	s16 =	sor.u32 $0x8000, s16;
	[tilespmem:s18+$0x1830 ss:$0x81] =	vst.msk $0xffff, v6;
	v1 =	vld [tilespmem:s17+$0x30]  }
.LBB1_3:
0x45: {  	p1 =	sne.s32 s21, $0x1FC;
	v5 =	vld [tilespmem:s17+$0xFFFFFFD0];
	[tilespmem:s18+$0x2040 ss:$0x81] =	vst.msk $0xffff, v4  }
0x46: {  	v6 =	vld [tilespmem:s17+$0xFFFFFFE0];
	[tilespmem:s18+$0x2850 ss:$0x81] =	vst.msk $0xffff, v3  }
0x47: {  	s22 =	sshra.s32 s20, $0x2;
	s20 =	smov.u32 s21;
	v7 =	vld [tilespmem:s17+$0xFFFFFFF0];
	[tilespmem:s18+$0x3060 ss:$0x81] =	vst.msk $0xffff, v2  }
.Ltmp3:
0x48: {  	v4 =	vld [tilespmem:s17+$0x0];
	[tilespmem:s18+$0x0 ss:$0x81] =	vst.msk $0xffff, v0;
	s18 =	sadd.s32 s22, s19;
	(pc) =	sbr.rel @p1 .LBB1_3-.Ltmp3, $4  }
0x49: {  	v3 =	vld [tilespmem:s17+$0x10];
	[tilespmem:s18+$0x3870 ss:$0x81] =	vst.msk $0xffff, v1  }
0x4a: {  	[tilespmem:s18+$0x810 ss:$0x81] =	vst.msk $0xffff, v5;
	v2 =	vld [tilespmem:s17+$0x20]  }
0x4b: {  	v0 =	vld [tilespmem:s17+$0xFFFFFFC0];
	[tilespmem:s18+$0x1020 ss:$0x81] =	vst.msk $0xffff, v6;
	s17 =	sadd.s32 $0x80, s17  }
0x4c: {  	s21 =	sadd.s32 $0x4, s21;
	v1 =	vld [tilespmem:s17+$0x30];
	[tilespmem:s18+$0x1830 ss:$0x81] =	vst.msk $0xffff, v7  }
0x4d: {  	s21 =	sshll.u32 s6, $0x7  }
0x4e: {  	s22 =	sshll.u32 s8, $0x3;
	p1 =	sgt.s32 s9, $0x3F;
	s27 =	sshra.s32 s9, $0x1F  }
0x4f: {  	s20 =	sshra.s32 s20, $0x2;
	s23 =	sand.u32 $0xFFFFFC00, s21;
	s22 =	sand.u32 $0xFFFFFC00, s22  }
0x50: {  	s30 =	ssub.s32 $0x0, s8;
	s21 =	sand.u32 $0x380, s21;
	s22 =	sadd.s32 s22, s23  }
0x51: {  	[tilespmem:s18+$0x2040 ss:$0x81] =	vst.msk $0xffff, v4;
	s31 =	sshra.s32 s6, $0x1F;
	s21 =	sor.u32 s21, s22;
	s22 =	smov.u32 s9  }
0x52: {  	s19 =	sadd.s32 s20, s19;
	[tilespmem:s18+$0x2850 ss:$0x81] =	vst.msk $0xffff, v3;
	s23 =	sand.u32 s27, s9;
	s22 =	simm.s32 @!p1 $0x3F  }
0x53: {  	v5 =	vld [tilespmem:s17+$0xFFFFFFD0];
	[tilespmem:s18+$0x3060 ss:$0x81] =	vst.msk $0xffff, v2;
	s27 =	smul.u32 $0xBB80, s9;
	s21 =	sshrl.u32 s21, $0x7;
	s22 =	ssub.s32 s22, s23  }
0x54: {  	v58 =	vld [tilespmem:s17+$0xFFFFFFE0];
	[tilespmem:s18+$0x0 ss:$0x81] =	vst.msk $0xffff, v0;
	s18 =	sand.u32 s31, s6;
	s24 =	smulhi.u32 $0x2BB0CF9, s21;
	s28 =	sadd.s32 $0xFFFFFFC1, s22  }
0x55: {  	v59 =	vld [tilespmem:s17+$0xFFFFFFF0];
	s20 =	ssub.s32 $0x40, s22;
	s22 =	smov.u32 s6;
	p1 =	sgt.s32 s28, $0x0  }
0x56: {  	v60 =	vld [tilespmem:s17+$0x0];
	s29 =	sshrl.u32 s24, $0x5;
	s20 =	simm.s32 @p1 $0x0;
	p1 =	sgt.s32 s6, $0xB38  }
0x57: {  	v61 =	vld [tilespmem:s17+$0x10];
	[tilespmem:s19+$0x3870 ss:$0x81] =	vst.msk $0xffff, v1;
	s24 =	smin.u32 s8, s30;
	s28 =	sshrl.u32 s8, $0x3;
	s22 =	simm.s32 @!p1 $0xB38  }
0x58: {  	v62 =	vld [tilespmem:s17+$0x20];
	[tilespmem:s19+$0x810 ss:$0x81] =	vst.msk $0xffff, v5;
	p1 =	sgt.s32 s24, $0x7F;
	s24 =	ssub.s32 $0x80, s24;
	s18 =	ssub.s32 s22, s18  }
0x59: {  	v63 =	vld [tilespmem:s17+$0xFFFFFFC0];
	[tilespmem:s19+$0x1020 ss:$0x81] =	vst.msk $0xffff, v58;
	s23 =	smul.u32 $0xBB8, s29;
	s24 =	simm.s32 @p1 $0x0;
	s26 =	sadd.s32 $0xFFFFF4C8, s18  }
0x5a: {  	[tilespmem:s19+$0x1830 ss:$0x81] =	vst.msk $0xffff, v59;
	s25 =	smul.u32 s20, s24;
	s18 =	ssub.s32 $0xBB8, s18;
	p1 =	sgt.s32 s26, $0x7F  }
.Ltmp4:
0x5b: {  	[tilespmem:s19+$0x2040 ss:$0x81] =	vst.msk $0xffff, v60;
	s29 =	sand.u32 $0xF, s28;
	s18 =	simm.s32 @p1 $0x0;
	(pc) =	sbr.rel .LBB1_5-.Ltmp4, $4  }
0x5c: {  	[tilespmem:s19+$0x2850 ss:$0x81] =	vst.msk $0xffff, v61;
	s21 =	ssub.s32 s21, s23;
	s20 =	sadd.s32 s2, s27;
	s17 =	smul.u32 s18, s25  }
0x5d: {  	[tilespmem:s19+$0x3060 ss:$0x81] =	vst.msk $0xffff, v62;
	s30 =	sshll.u32 s21, $0x4;
	s18 =	sadd.s32 s29, s20  }
0x5e: {  	s31 =	sand.u32 $0x7, s8;
	[tilespmem:s19+$0x0 ss:$0x81] =	vst.msk $0xffff, v63;
	s18 =	sadd.s32 s30, s18;
	s17 =	sand.u32 $0x3FFFFFFF, s17  }
0x5f: {  	[hbm4b:s18+s31] =	stream.linear.scatter [tilespmem:s16], [sflag:$0x2], s17, $0x20;
	[tilespmem:$0x10100] =	vst v63  }
.LBB1_6:
0x60: {  	_ =	sfence.sel $0x180000  }
0x61: {  	s2 =	simm.s32 $0x1;
	[bflag:$0x0] =	sbarrier.arrive $0xFFFF  }
0x62: {  	s31 =	simm.s32 $0x2;
	[sflag:s2] =	ssyncpa.u1 $0x1  }
0x63: {  	[sflag:s31] =	ssyncpa.u1 $0x1  }
0x64: {  	p0 =	sne.s32 s1, $0x0;
	_ =	strace $0x90000047  }
0x65: {  	s0 =	sadd.s32 @!p0 $0x100000, s0;
	[bflag:$0x2] =	sbarrier.arrive $0xFFFF  }
0x66: {  	[sflag:s0] =	ssyncadd.tile.s32 @!p0 $0x1;
	_ =	shalt  }
.Lfunc_end1:
_tile_overlayer_lowered:
.L_overlay_start_2:
0x67: {  	(tag) =	ssettag $0x2  }
0x68: {  	s0 =	rddreg [dreg:$0x0];
	s2 =	stileid.u32  }
0x69: {  	s1 =	rddreg [dreg:$0x1];
	p0 =	sne.s32 s2, $0x0  }
0x6a: {  	s3 =	rddreg [dreg:$0x2];
	[bflag:$0x3] =	sbarrier.arrive $0xFFFF;
	s2 =	simm.s32 @!p0 $0x1C01  }
0x6b: {  	[timem:s3], [sflag:s2] =	dma.local @!p0 [hbm:s0], s1  }
0x6c: {  	s0 =	simm.s32 @!p0 $0x1  }
0x6d: {  	_ =	swait.ge @!p0 [sflag:s0], s1  }
0x6e: {  	s1 =	ssub.s32 @!p0 $0x0, s1;
	[sflag:s0] =	ssyncset.done @!p0 $0x0  }
0x6f: {  	[sflag:s0] =	ssyncadd.s32 @!p0 s1  }
0x70: {  	[bflag:$0x3] =	sbarrier.arrive $0xFFFF  }
0x71: {  	_ =	shalt  }

</sc_bundles>
